<compile_context>
chip_gen: v7x
topology: tpu7x:2x2x1
jax: 0.10.2.dev20260603
libtpu: 0.0.44.dev20260713+nightly
codegen_flags: <defaults>
</compile_context>

<pallas_src>
import functools

import jax
import jax.numpy as jnp
from jax import lax
from jax.experimental import pallas as pl
from jax.experimental.pallas import tpu as pltpu
from jax.experimental.pallas import tpu_sc as plsc

_K = 8192
_D = 32
_N = 8192
_TOK_BLK = 1024

_NC = 2
_NS = 16
_NW = _NC * _NS
_ROWS_PER_W = _N // (_NW * 128)


def _first_index_min(d, iota_f):
    m = jnp.min(d, axis=1, keepdims=True)
    i = jnp.min(jnp.where(d == m, iota_f, jnp.float32(1e9)), axis=1)
    return m[:, 0], i


def _argmin_body(xn_ref, cn_ref, x_ref, cb_ref, idx_ref):
    xm2 = x_ref[...] * jnp.float32(-2.0)
    cb = cb_ref[...]
    mm2 = lax.dot_general(xm2, cb, (((1,), (1,)), ((), ())),
                          preferred_element_type=jnp.float32)
    dist = xn_ref[...] + cn_ref[...] + mm2
    dist = jnp.maximum(dist, 0.0)
    half = _K // 2
    iota_f = lax.broadcasted_iota(
        jnp.int32, (_TOK_BLK, half), 1).astype(jnp.float32)
    m0, i0 = _first_index_min(dist[:, :half], iota_f)
    m1, i1 = _first_index_min(dist[:, half:], iota_f)
    b0 = m0.astype(jnp.bfloat16).astype(jnp.float32)
    idx = jnp.where(b0 <= m1, i0, i1 + jnp.float32(half))
    idx_ref[...] = idx.astype(jnp.int32)


def _argmin_call(xf, codebook, xn, cn):
    grid = _N // _TOK_BLK
    return pl.pallas_call(
        _argmin_body,
        grid=(grid,),
        in_specs=[
            pl.BlockSpec((_TOK_BLK, 1), lambda i: (i, 0)),
            pl.BlockSpec((1, _K), lambda i: (0, 0)),
            pl.BlockSpec((_TOK_BLK, _D), lambda i: (i, 0)),
            pl.BlockSpec((_K, _D), lambda i: (0, 0)),
        ],
        out_specs=pl.BlockSpec((_TOK_BLK,), lambda i: (i,)),
        out_shape=jax.ShapeDtypeStruct((_N,), jnp.int32),
    )(xn, cn, xf, codebook)


def _sc_gather_counts(codebook, idx2d, zeros_k):
    mesh = plsc.VectorSubcoreMesh(core_axis_name="c", subcore_axis_name="s")

    @functools.partial(
        pl.kernel,
        out_type=(
            jax.ShapeDtypeStruct((_N, _D), jnp.float32),
            jax.ShapeDtypeStruct((_NC, _K), jnp.float32),
        ),
        mesh=mesh,
        compiler_params=pltpu.CompilerParams(use_tc_tiling_on_sc=False),
        scratch_types=[
            pltpu.VMEM((_ROWS_PER_W, 128), jnp.int32),
            pltpu.VMEM((_ROWS_PER_W, 128, _D), jnp.float32),
            pltpu.VMEM((128,), jnp.float32),
            pltpu.VMEM_SHARED((_K,), jnp.float32),
            pltpu.SemaphoreType.DMA,
            pltpu.SemaphoreType.DMA,
        ],
    )
    def k(cb_hbm, idx_hbm, zk_hbm, z_hbm, cnt_hbm, idx_v, rows_v, ones_v,
          cnt_sh, gsem, wsem):
        cid = lax.axis_index("c")
        sid = lax.axis_index("s")
        wid = sid * _NC + cid
        pltpu.sync_copy(idx_hbm.at[pl.ds(wid * _ROWS_PER_W, _ROWS_PER_W)],
                        idx_v)
        gathers = [
            pltpu.async_copy(cb_hbm.at[idx_v.at[j]], rows_v.at[j], gsem)
            for j in range(_ROWS_PER_W)
        ]
        for i in range(128 // 16):
            ones_v[pl.ds(i * 16, 16)] = jnp.full((16,), 1.0, jnp.float32)

        @pl.when(sid == 0)
        def _():
            pltpu.sync_copy(zk_hbm, cnt_sh)

        plsc.subcore_barrier()
        writes = []
        for j in range(_ROWS_PER_W):
            gathers[j].wait()
            writes.append(pltpu.async_copy(
                rows_v.at[j],
                z_hbm.at[pl.ds(wid * _ROWS_PER_W * 128 + j * 128, 128)], wsem))
            pltpu.sync_copy(ones_v, cnt_sh.at[idx_v.at[j]], add=True)
        for w in writes:
            w.wait()
        plsc.subcore_barrier()

        @pl.when(sid == 0)
        def _():
            pltpu.sync_copy(cnt_sh, cnt_hbm.at[cid])

    return k(codebook, idx2d, zeros_k)


def _loss_body(x_ref, z_ref, cnt_ref, zout_ref, loss_ref, perp_ref):
    xv = x_ref[...]
    d = z_ref[...] - xv
    zout_ref[...] = xv + d
    loss_ref[...] = jnp.reshape(jnp.sum(d * d) * (1.0 / (_N * _D)), (1, 1))
    c = cnt_ref[0:1, :] + cnt_ref[1:2, :]
    p = c * (1.0 / _N)
    ent = jnp.sum(p * jnp.log(p + 1e-10))
    perp_ref[...] = jnp.reshape(jnp.exp(-ent), (1, 1))


def _loss_call(xf, z, counts):
    return pl.pallas_call(
        _loss_body,
        out_shape=(
            jax.ShapeDtypeStruct((_N, _D), jnp.float32),
            jax.ShapeDtypeStruct((1, 1), jnp.float32),
            jax.ShapeDtypeStruct((1, 1), jnp.float32),
        ),
    )(xf, z, counts)


def kernel(x, codebook):
    xf = x.reshape(-1, _D)
    xn = jnp.sum(xf ** 2, axis=1).reshape(-1, 1)
    cn = jnp.sum(codebook ** 2, axis=1).reshape(1, -1)
    idx = _argmin_call(xf, codebook, xn, cn)
    idx2d = idx.reshape(_N // 128, 128)
    zeros_k = jnp.zeros((_K,), jnp.float32)
    z_flat, counts = _sc_gather_counts(codebook, idx2d, zeros_k)
    zout, loss, perp = _loss_call(xf, z_flat, counts)
    z = zout.reshape(x.shape)
    loss = loss.reshape(())
    perp = perp.reshape(())
    return (z, loss, loss, perp)

# --- scband reference (transcript-rebuilt; emitter-appended) ---
"""Pipeline reference for scband-vqlayer-7645041787325 (READ-ONLY COPY).

The authoritative reference and input builder live on the scoring server;
editing this copy changes nothing except your own understanding.
"""

import jax, jax.numpy as jnp
import numpy as np

NUM_EMBEDDINGS = 8192
EMBEDDING_DIM = 32


def setup_inputs(seed: int = 0) -> dict:
    key = jax.random.key(seed)
    k1, k2 = jax.random.split(key)
    x = jax.random.normal(k1, (8, 1024, EMBEDDING_DIM), dtype=jnp.float32)
    # non-EMA init: uniform(-1/K, 1/K)
    codebook = jax.random.uniform(
        k2, (NUM_EMBEDDINGS, EMBEDDING_DIM), dtype=jnp.float32,
        minval=-1.0 / NUM_EMBEDDINGS, maxval=1.0 / NUM_EMBEDDINGS)
    return {"x": x, "codebook": codebook}


def _paired_dist(x, y):
    x_norm = jnp.sum(x ** 2, axis=1).reshape(-1, 1)
    y_norm = jnp.sum(y ** 2, axis=1).reshape(1, -1)
    dist = x_norm + y_norm - 2.0 * jnp.matmul(x, y.T)
    dist = jnp.where(dist < 0, 0.0, dist)
    return dist


def reference(x, codebook):
    x_shape = x.shape
    x_temp = x.reshape(-1, EMBEDDING_DIM)
    n = x_temp.shape[0]
    dist = _paired_dist(x_temp, codebook)
    index = jnp.argmin(dist, axis=1)
    # scatter_(1, index, 1) -> one-hot indicator matrix
    indicator_mat = jnp.zeros((n, NUM_EMBEDDINGS), dtype=x.dtype).at[
        jnp.arange(n), index].set(1.0)
    z = jnp.matmul(indicator_mat, codebook).reshape(x_shape)
    commitment_loss = jnp.mean((jax.lax.stop_gradient(z) - x) ** 2)
    avg_probs = jnp.mean(indicator_mat, axis=0)
    perplexity = jnp.exp(-jnp.sum(avg_probs * jnp.log(avg_probs + 1e-10)))
    # non-EMA branch
    quantization_loss = jnp.mean((z - jax.lax.stop_gradient(x)) ** 2)
    z = x + jax.lax.stop_gradient(z - x)
    return (z, quantization_loss, commitment_loss, perplexity)

if __name__ == "__main__":
    import jax
    _d = setup_inputs()
    print(jax.jit(kernel)(*tuple(_d.values())))

</pallas_src>

<mosaic_0001>
#map = affine_map<(d0, d1) -> (0, 0)>
#map1 = affine_map<(d0, d1) -> (0)>
module attributes {stable_mosaic.version = 14 : i64} {
  func.func @k(%arg0: i32, %arg1: i32, %arg2: memref<8192x32xf32, #tpu.memory_space<hbm>>, %arg3: memref<64x128xi32, #tpu.memory_space<hbm>>, %arg4: memref<8192xf32, #tpu.memory_space<hbm>>, %arg5: memref<8192x32xf32, #tpu.memory_space<hbm>>, %arg6: memref<2x8192xf32, #tpu.memory_space<hbm>>, %arg7: memref<2x128xi32, #tpu.memory_space<vmem>>, %arg8: memref<2x128x32xf32, #tpu.memory_space<vmem>>, %arg9: memref<128xf32, #tpu.memory_space<vmem>>, %arg10: memref<8192xf32, #tpu.memory_space<vmem_shared>>, %arg11: memref<!tpu.dma_semaphore, #tpu.memory_space<semaphore_mem>>, %arg12: memref<!tpu.dma_semaphore, #tpu.memory_space<semaphore_mem>>) attributes {dimension_semantics = [#tpu.dimension_semantics<core_parallel>, #tpu.dimension_semantics<subcore_parallel>], iteration_bounds = array<i64: 2, 16>, scalar_prefetch = 0 : i64, scratch_operands = 6 : i64, tpu.core_type = #tpu.core_type<sc_vector_subcore>, window_params = [{transform_indices = #map}, {transform_indices = #map}, {transform_indices = #map1}, {transform_indices = #map}, {transform_indices = #map}]} {
    %mul3A = arith.constant 2 : i32
    %mul3A_0 = arith.muli %arg1, %mul3A : i32
    %add3A = arith.addi %mul3A_0, %arg0 : i32
    %mul3A_1 = arith.constant 2 : i32
    %mul3A_2 = arith.muli %add3A, %mul3A_1 : i32
    "tpu.region"() ({
      %run_scoped3A_168 = tpu.sem_alloc : memref<!tpu.dma_semaphore, #tpu.memory_space<semaphore_mem>>
      %dma_start3A_169 = arith.constant 0 : i32
      %dma_start3A_170 = tpu.memref_slice %arg3[%mul3A_2, %dma_start3A_169] : memref<64x128xi32, #tpu.memory_space<hbm>> -> memref<2x128xi32, #tpu.memory_space<hbm>>
      %dma_start3A_171 = arith.constant 0 : i32
      %dma_start3A_172 = tpu.memref_slice %arg3[%mul3A_2, %dma_start3A_171] : memref<64x128xi32, #tpu.memory_space<hbm>> -> memref<2x128xi32, #tpu.memory_space<hbm>>
      tpu.enqueue_dma source(%dma_start3A_172 : memref<2x128xi32, #tpu.memory_space<hbm>>) target(%arg7 : memref<2x128xi32, #tpu.memory_space<vmem>>) target_semaphore(%run_scoped3A_168 : memref<!tpu.dma_semaphore, #tpu.memory_space<semaphore_mem>>)
      %dma_wait3A_173 = arith.constant 0 : i32
      %dma_wait3A_174 = tpu.memref_slice %arg3[%mul3A_2, %dma_wait3A_173] : memref<64x128xi32, #tpu.memory_space<hbm>> -> memref<2x128xi32, #tpu.memory_space<hbm>>
      %dma_wait3A_175 = arith.constant 0 : i32
      %dma_wait3A_176 = tpu.memref_slice %arg3[%mul3A_2, %dma_wait3A_175] : memref<64x128xi32, #tpu.memory_space<hbm>> -> memref<2x128xi32, #tpu.memory_space<hbm>>
      tpu.wait_dma2 semaphore(%run_scoped3A_168 : memref<!tpu.dma_semaphore, #tpu.memory_space<semaphore_mem>>) src(%dma_wait3A_176 : memref<2x128xi32, #tpu.memory_space<hbm>>) dst(%arg7 : memref<2x128xi32, #tpu.memory_space<vmem>>)
      tpu.yield
    }) : () -> ()
    %dma_start3A = arith.constant 0 : i32
    %dma_start3A_3 = arith.constant 0 : i32
    %dma_start3A_4 = arith.constant 0 : i32
    %dma_start3A_5 = arith.constant 0 : i32
    %dma_start3A_6 = tpu.memref_slice %arg8[%dma_start3A_3, %dma_start3A_4, %dma_start3A_5] : memref<2x128x32xf32, #tpu.memory_space<vmem>> -> memref<1x128x32xf32, #tpu.memory_space<vmem>>
    %dma_start3A_7 = tpu.memref_squeeze %dma_start3A_6 : memref<1x128x32xf32, #tpu.memory_space<vmem>> -> memref<128x32xf32, #tpu.memory_space<vmem>>
    %dma_start3A_8 = arith.constant 0 : i32
    %dma_start3A_9 = tpu.memref_slice %arg7[%dma_start3A, %dma_start3A_8] : memref<2x128xi32, #tpu.memory_space<vmem>> -> memref<1x128xi32, #tpu.memory_space<vmem>>
    %dma_start3A_10 = tpu.memref_squeeze %dma_start3A_9 : memref<1x128xi32, #tpu.memory_space<vmem>> -> memref<128xi32, #tpu.memory_space<vmem>>
    %dma_start3A_11 = arith.constant 0 : i32
    %dma_start3A_12 = arith.constant 0 : i32
    %dma_start3A_13 = tpu.memref_slice %arg2[%dma_start3A_11, %dma_start3A_12] : memref<8192x32xf32, #tpu.memory_space<hbm>> -> memref<8192x32xf32, #tpu.memory_space<hbm>>
    tpu.enqueue_indirect_dma source(%dma_start3A_13 : memref<8192x32xf32, #tpu.memory_space<hbm>>) target(%dma_start3A_7 : memref<128x32xf32, #tpu.memory_space<vmem>>) offsets(%dma_start3A_10 : memref<128xi32, #tpu.memory_space<vmem>>) semaphore(%arg11 : memref<!tpu.dma_semaphore, #tpu.memory_space<semaphore_mem>>)
    %dma_start3A_14 = arith.constant 1 : i32
    %dma_start3A_15 = arith.constant 1 : i32
    %dma_start3A_16 = arith.constant 0 : i32
    %dma_start3A_17 = arith.constant 0 : i32
    %dma_start3A_18 = tpu.memref_slice %arg8[%dma_start3A_15, %dma_start3A_16, %dma_start3A_17] : memref<2x128x32xf32, #tpu.memory_space<vmem>> -> memref<1x128x32xf32, #tpu.memory_space<vmem>>
    %dma_start3A_19 = tpu.memref_squeeze %dma_start3A_18 : memref<1x128x32xf32, #tpu.memory_space<vmem>> -> memref<128x32xf32, #tpu.memory_space<vmem>>
    %dma_start3A_20 = arith.constant 0 : i32
    %dma_start3A_21 = tpu.memref_slice %arg7[%dma_start3A_14, %dma_start3A_20] : memref<2x128xi32, #tpu.memory_space<vmem>> -> memref<1x128xi32, #tpu.memory_space<vmem>>
    %dma_start3A_22 = tpu.memref_squeeze %dma_start3A_21 : memref<1x128xi32, #tpu.memory_space<vmem>> -> memref<128xi32, #tpu.memory_space<vmem>>
    %dma_start3A_23 = arith.constant 0 : i32
    %dma_start3A_24 = arith.constant 0 : i32
    %dma_start3A_25 = tpu.memref_slice %arg2[%dma_start3A_23, %dma_start3A_24] : memref<8192x32xf32, #tpu.memory_space<hbm>> -> memref<8192x32xf32, #tpu.memory_space<hbm>>
    tpu.enqueue_indirect_dma source(%dma_start3A_25 : memref<8192x32xf32, #tpu.memory_space<hbm>>) target(%dma_start3A_19 : memref<128x32xf32, #tpu.memory_space<vmem>>) offsets(%dma_start3A_22 : memref<128xi32, #tpu.memory_space<vmem>>) semaphore(%arg11 : memref<!tpu.dma_semaphore, #tpu.memory_space<semaphore_mem>>)
    %broadcast_in_dim3A = arith.constant 1.000000e+00 : f32
    %broadcast_in_dim3A_26 = vector.broadcast %broadcast_in_dim3A : f32 to vector<16xf32>
    %swap3A = arith.constant 0 : index
    %swap3A_27 = tpu.vector_load %arg9[%swap3A] {strides = array<i32>} : memref<128xf32, #tpu.memory_space<vmem>>, vector<16xf32>,
    %swap3A_28 = vector.shape_cast %swap3A_27 : vector<16xf32> to vector<16xf32>
    %swap3A_29 = vector.shape_cast %broadcast_in_dim3A_26 : vector<16xf32> to vector<16xf32>
    tpu.vector_store %arg9[%swap3A], %swap3A_29 {strides = array<i32>} : memref<128xf32, #tpu.memory_space<vmem>>, vector<16xf32>,
    %broadcast_in_dim3A_30 = arith.constant 1.000000e+00 : f32
    %broadcast_in_dim3A_31 = vector.broadcast %broadcast_in_dim3A_30 : f32 to vector<16xf32>
    %swap3A_32 = arith.constant 16 : index
    %swap3A_33 = tpu.vector_load %arg9[%swap3A_32] {strides = array<i32>} : memref<128xf32, #tpu.memory_space<vmem>>, vector<16xf32>,
    %swap3A_34 = vector.shape_cast %swap3A_33 : vector<16xf32> to vector<16xf32>
    %swap3A_35 = vector.shape_cast %broadcast_in_dim3A_31 : vector<16xf32> to vector<16xf32>
    tpu.vector_store %arg9[%swap3A_32], %swap3A_35 {strides = array<i32>} : memref<128xf32, #tpu.memory_space<vmem>>, vector<16xf32>,
    %broadcast_in_dim3A_36 = arith.constant 1.000000e+00 : f32
    %broadcast_in_dim3A_37 = vector.broadcast %broadcast_in_dim3A_36 : f32 to vector<16xf32>
    %swap3A_38 = arith.constant 32 : index
    %swap3A_39 = tpu.vector_load %arg9[%swap3A_38] {strides = array<i32>} : memref<128xf32, #tpu.memory_space<vmem>>, vector<16xf32>,
    %swap3A_40 = vector.shape_cast %swap3A_39 : vector<16xf32> to vector<16xf32>
    %swap3A_41 = vector.shape_cast %broadcast_in_dim3A_37 : vector<16xf32> to vector<16xf32>
    tpu.vector_store %arg9[%swap3A_38], %swap3A_41 {strides = array<i32>} : memref<128xf32, #tpu.memory_space<vmem>>, vector<16xf32>,
    %broadcast_in_dim3A_42 = arith.constant 1.000000e+00 : f32
    %broadcast_in_dim3A_43 = vector.broadcast %broadcast_in_dim3A_42 : f32 to vector<16xf32>
    %swap3A_44 = arith.constant 48 : index
    %swap3A_45 = tpu.vector_load %arg9[%swap3A_44] {strides = array<i32>} : memref<128xf32, #tpu.memory_space<vmem>>, vector<16xf32>,
    %swap3A_46 = vector.shape_cast %swap3A_45 : vector<16xf32> to vector<16xf32>
    %swap3A_47 = vector.shape_cast %broadcast_in_dim3A_43 : vector<16xf32> to vector<16xf32>
    tpu.vector_store %arg9[%swap3A_44], %swap3A_47 {strides = array<i32>} : memref<128xf32, #tpu.memory_space<vmem>>, vector<16xf32>,
    %broadcast_in_dim3A_48 = arith.constant 1.000000e+00 : f32
    %broadcast_in_dim3A_49 = vector.broadcast %broadcast_in_dim3A_48 : f32 to vector<16xf32>
    %swap3A_50 = arith.constant 64 : index
    %swap3A_51 = tpu.vector_load %arg9[%swap3A_50] {strides = array<i32>} : memref<128xf32, #tpu.memory_space<vmem>>, vector<16xf32>,
    %swap3A_52 = vector.shape_cast %swap3A_51 : vector<16xf32> to vector<16xf32>
    %swap3A_53 = vector.shape_cast %broadcast_in_dim3A_49 : vector<16xf32> to vector<16xf32>
    tpu.vector_store %arg9[%swap3A_50], %swap3A_53 {strides = array<i32>} : memref<128xf32, #tpu.memory_space<vmem>>, vector<16xf32>,
    %broadcast_in_dim3A_54 = arith.constant 1.000000e+00 : f32
    %broadcast_in_dim3A_55 = vector.broadcast %broadcast_in_dim3A_54 : f32 to vector<16xf32>
    %swap3A_56 = arith.constant 80 : index
    %swap3A_57 = tpu.vector_load %arg9[%swap3A_56] {strides = array<i32>} : memref<128xf32, #tpu.memory_space<vmem>>, vector<16xf32>,
    %swap3A_58 = vector.shape_cast %swap3A_57 : vector<16xf32> to vector<16xf32>
    %swap3A_59 = vector.shape_cast %broadcast_in_dim3A_55 : vector<16xf32> to vector<16xf32>
    tpu.vector_store %arg9[%swap3A_56], %swap3A_59 {strides = array<i32>} : memref<128xf32, #tpu.memory_space<vmem>>, vector<16xf32>,
    %broadcast_in_dim3A_60 = arith.constant 1.000000e+00 : f32
    %broadcast_in_dim3A_61 = vector.broadcast %broadcast_in_dim3A_60 : f32 to vector<16xf32>
    %swap3A_62 = arith.constant 96 : index
    %swap3A_63 = tpu.vector_load %arg9[%swap3A_62] {strides = array<i32>} : memref<128xf32, #tpu.memory_space<vmem>>, vector<16xf32>,
    %swap3A_64 = vector.shape_cast %swap3A_63 : vector<16xf32> to vector<16xf32>
    %swap3A_65 = vector.shape_cast %broadcast_in_dim3A_61 : vector<16xf32> to vector<16xf32>
    tpu.vector_store %arg9[%swap3A_62], %swap3A_65 {strides = array<i32>} : memref<128xf32, #tpu.memory_space<vmem>>, vector<16xf32>,
    %broadcast_in_dim3A_66 = arith.constant 1.000000e+00 : f32
    %broadcast_in_dim3A_67 = vector.broadcast %broadcast_in_dim3A_66 : f32 to vector<16xf32>
    %swap3A_68 = arith.constant 112 : index
    %swap3A_69 = tpu.vector_load %arg9[%swap3A_68] {strides = array<i32>} : memref<128xf32, #tpu.memory_space<vmem>>, vector<16xf32>,
    %swap3A_70 = vector.shape_cast %swap3A_69 : vector<16xf32> to vector<16xf32>
    %swap3A_71 = vector.shape_cast %broadcast_in_dim3A_67 : vector<16xf32> to vector<16xf32>
    tpu.vector_store %arg9[%swap3A_68], %swap3A_71 {strides = array<i32>} : memref<128xf32, #tpu.memory_space<vmem>>, vector<16xf32>,
    %eq3A = arith.constant 0 : i32
    %eq3A_72 = arith.cmpi eq, %arg1, %eq3A : i32
    %convert_element_type3A = arith.extui %eq3A_72 : i1 to i32
    %cond3A = arith.constant 0 : i32
    %cond3A_73 = arith.cmpi ne, %convert_element_type3A, %cond3A : i32
    scf.if %cond3A_73 {
      "tpu.region"() ({
        %run_scoped3A_168 = tpu.sem_alloc : memref<!tpu.dma_semaphore, #tpu.memory_space<semaphore_mem>>
        tpu.enqueue_dma source(%arg4 : memref<8192xf32, #tpu.memory_space<hbm>>) target(%arg10 : memref<8192xf32, #tpu.memory_space<vmem_shared>>) target_semaphore(%run_scoped3A_168 : memref<!tpu.dma_semaphore, #tpu.memory_space<semaphore_mem>>)
        tpu.wait_dma2 semaphore(%run_scoped3A_168 : memref<!tpu.dma_semaphore, #tpu.memory_space<semaphore_mem>>) src(%arg4 : memref<8192xf32, #tpu.memory_space<hbm>>) dst(%arg10 : memref<8192xf32, #tpu.memory_space<vmem_shared>>)
        tpu.yield
      }) : () -> ()
    } else {
    }
    %barrier3A = arith.constant 0 : index
    tpu.barrier barrier_id(%barrier3A)
    %dma_wait3A = arith.constant 0 : i32
    %dma_wait3A_74 = arith.constant 0 : i32
    %dma_wait3A_75 = arith.constant 0 : i32
    %dma_wait3A_76 = arith.constant 0 : i32
    %dma_wait3A_77 = tpu.memref_slice %arg8[%dma_wait3A_74, %dma_wait3A_75, %dma_wait3A_76] : memref<2x128x32xf32, #tpu.memory_space<vmem>> -> memref<1x128x32xf32, #tpu.memory_space<vmem>>
    %dma_wait3A_78 = tpu.memref_squeeze %dma_wait3A_77 : memref<1x128x32xf32, #tpu.memory_space<vmem>> -> memref<128x32xf32, #tpu.memory_space<vmem>>
    %dma_wait3A_79 = arith.constant 0 : i32
    %dma_wait3A_80 = tpu.memref_slice %arg7[%dma_wait3A, %dma_wait3A_79] : memref<2x128xi32, #tpu.memory_space<vmem>> -> memref<1x128xi32, #tpu.memory_space<vmem>>
    %dma_wait3A_81 = tpu.memref_squeeze %dma_wait3A_80 : memref<1x128xi32, #tpu.memory_space<vmem>> -> memref<128xi32, #tpu.memory_space<vmem>>
    %dma_wait3A_82 = arith.constant 0 : i32
    %dma_wait3A_83 = arith.constant 0 : i32
    %dma_wait3A_84 = tpu.memref_slice %arg2[%dma_wait3A_82, %dma_wait3A_83] : memref<8192x32xf32, #tpu.memory_space<hbm>> -> memref<8192x32xf32, #tpu.memory_space<hbm>>
    tpu.wait_indirect_dma semaphore(%arg11 : memref<!tpu.dma_semaphore, #tpu.memory_space<semaphore_mem>>) src(%dma_wait3A_84 : memref<8192x32xf32, #tpu.memory_space<hbm>>) dst(%dma_wait3A_78 : memref<128x32xf32, #tpu.memory_space<vmem>>)
    %mul3A_85 = arith.constant 2 : i32
    %mul3A_86 = arith.muli %add3A, %mul3A_85 : i32
    %mul3A_87 = arith.constant 128 : i32
    %mul3A_88 = arith.muli %mul3A_86, %mul3A_87 : i32
    %add3A_89 = arith.constant 0 : i32
    %add3A_90 = arith.addi %mul3A_88, %add3A_89 : i32
    %dma_start3A_91 = arith.constant 0 : i32
    %dma_start3A_92 = arith.constant 0 : i32
    %dma_start3A_93 = arith.constant 0 : i32
    %dma_start3A_94 = tpu.memref_slice %arg8[%dma_start3A_91, %dma_start3A_92, %dma_start3A_93] : memref<2x128x32xf32, #tpu.memory_space<vmem>> -> memref<1x128x32xf32, #tpu.memory_space<vmem>>
    %dma_start3A_95 = tpu.memref_squeeze %dma_start3A_94 : memref<1x128x32xf32, #tpu.memory_space<vmem>> -> memref<128x32xf32, #tpu.memory_space<vmem>>
    %dma_start3A_96 = arith.constant 0 : i32
    %dma_start3A_97 = tpu.memref_slice %arg5[%add3A_90, %dma_start3A_96] : memref<8192x32xf32, #tpu.memory_space<hbm>> -> memref<128x32xf32, #tpu.memory_space<hbm>>
    %dma_start3A_98 = arith.constant 0 : i32
    %dma_start3A_99 = tpu.memref_slice %arg5[%add3A_90, %dma_start3A_98] : memref<8192x32xf32, #tpu.memory_space<hbm>> -> memref<128x32xf32, #tpu.memory_space<hbm>>
    %dma_start3A_100 = arith.constant 0 : i32
    %dma_start3A_101 = arith.constant 0 : i32
    %dma_start3A_102 = tpu.memref_slice %arg8[%dma_start3A_91, %dma_start3A_100, %dma_start3A_101] : memref<2x128x32xf32, #tpu.memory_space<vmem>> -> memref<1x128x32xf32, #tpu.memory_space<vmem>>
    %dma_start3A_103 = tpu.memref_squeeze %dma_start3A_102 : memref<1x128x32xf32, #tpu.memory_space<vmem>> -> memref<128x32xf32, #tpu.memory_space<vmem>>
    tpu.enqueue_dma source(%dma_start3A_103 : memref<128x32xf32, #tpu.memory_space<vmem>>) target(%dma_start3A_99 : memref<128x32xf32, #tpu.memory_space<hbm>>) target_semaphore(%arg12 : memref<!tpu.dma_semaphore, #tpu.memory_space<semaphore_mem>>)
    %run_scoped3A = arith.constant 0 : i32
    "tpu.region"() ({
      %run_scoped3A_168 = tpu.sem_alloc : memref<!tpu.dma_semaphore, #tpu.memory_space<semaphore_mem>>
      %dma_start3A_169 = arith.constant 0 : i32
      %dma_start3A_170 = tpu.memref_slice %arg7[%run_scoped3A, %dma_start3A_169] : memref<2x128xi32, #tpu.memory_space<vmem>> -> memref<1x128xi32, #tpu.memory_space<vmem>>
      %dma_start3A_171 = tpu.memref_squeeze %dma_start3A_170 : memref<1x128xi32, #tpu.memory_space<vmem>> -> memref<128xi32, #tpu.memory_space<vmem>>
      %dma_start3A_172 = arith.constant 0 : i32
      %dma_start3A_173 = tpu.memref_slice %arg10[%dma_start3A_172] : memref<8192xf32, #tpu.memory_space<vmem_shared>> -> memref<8192xf32, #tpu.memory_space<vmem_shared>>
      tpu.enqueue_indirect_dma source(%arg9 : memref<128xf32, #tpu.memory_space<vmem>>) target(%dma_start3A_173 : memref<8192xf32, #tpu.memory_space<vmem_shared>>) offsets(%dma_start3A_171 : memref<128xi32, #tpu.memory_space<vmem>>) semaphore(%run_scoped3A_168 : memref<!tpu.dma_semaphore, #tpu.memory_space<semaphore_mem>>) {add = true}
      %dma_wait3A_174 = arith.constant 0 : i32
      %dma_wait3A_175 = tpu.memref_slice %arg7[%run_scoped3A, %dma_wait3A_174] : memref<2x128xi32, #tpu.memory_space<vmem>> -> memref<1x128xi32, #tpu.memory_space<vmem>>
      %dma_wait3A_176 = tpu.memref_squeeze %dma_wait3A_175 : memref<1x128xi32, #tpu.memory_space<vmem>> -> memref<128xi32, #tpu.memory_space<vmem>>
      %dma_wait3A_177 = arith.constant 0 : i32
      %dma_wait3A_178 = tpu.memref_slice %arg10[%dma_wait3A_177] : memref<8192xf32, #tpu.memory_space<vmem_shared>> -> memref<8192xf32, #tpu.memory_space<vmem_shared>>
      tpu.wait_indirect_dma semaphore(%run_scoped3A_168 : memref<!tpu.dma_semaphore, #tpu.memory_space<semaphore_mem>>) src(%arg9 : memref<128xf32, #tpu.memory_space<vmem>>) dst(%dma_wait3A_178 : memref<8192xf32, #tpu.memory_space<vmem_shared>>)
      tpu.yield
    }) : () -> ()
    %dma_wait3A_104 = arith.constant 1 : i32
    %dma_wait3A_105 = arith.constant 1 : i32
    %dma_wait3A_106 = arith.constant 0 : i32
    %dma_wait3A_107 = arith.constant 0 : i32
    %dma_wait3A_108 = tpu.memref_slice %arg8[%dma_wait3A_105, %dma_wait3A_106, %dma_wait3A_107] : memref<2x128x32xf32, #tpu.memory_space<vmem>> -> memref<1x128x32xf32, #tpu.memory_space<vmem>>
    %dma_wait3A_109 = tpu.memref_squeeze %dma_wait3A_108 : memref<1x128x32xf32, #tpu.memory_space<vmem>> -> memref<128x32xf32, #tpu.memory_space<vmem>>
    %dma_wait3A_110 = arith.constant 0 : i32
    %dma_wait3A_111 = tpu.memref_slice %arg7[%dma_wait3A_104, %dma_wait3A_110] : memref<2x128xi32, #tpu.memory_space<vmem>> -> memref<1x128xi32, #tpu.memory_space<vmem>>
    %dma_wait3A_112 = tpu.memref_squeeze %dma_wait3A_111 : memref<1x128xi32, #tpu.memory_space<vmem>> -> memref<128xi32, #tpu.memory_space<vmem>>
    %dma_wait3A_113 = arith.constant 0 : i32
    %dma_wait3A_114 = arith.constant 0 : i32
    %dma_wait3A_115 = tpu.memref_slice %arg2[%dma_wait3A_113, %dma_wait3A_114] : memref<8192x32xf32, #tpu.memory_space<hbm>> -> memref<8192x32xf32, #tpu.memory_space<hbm>>
    tpu.wait_indirect_dma semaphore(%arg11 : memref<!tpu.dma_semaphore, #tpu.memory_space<semaphore_mem>>) src(%dma_wait3A_115 : memref<8192x32xf32, #tpu.memory_space<hbm>>) dst(%dma_wait3A_109 : memref<128x32xf32, #tpu.memory_space<vmem>>)
    %mul3A_116 = arith.constant 2 : i32
    %mul3A_117 = arith.muli %add3A, %mul3A_116 : i32
    %mul3A_118 = arith.constant 128 : i32
    %mul3A_119 = arith.muli %mul3A_117, %mul3A_118 : i32
    %add3A_120 = arith.constant 128 : i32
    %add3A_121 = arith.addi %mul3A_119, %add3A_120 : i32
    %dma_start3A_122 = arith.constant 1 : i32
    %dma_start3A_123 = arith.constant 0 : i32
    %dma_start3A_124 = arith.constant 0 : i32
    %dma_start3A_125 = tpu.memref_slice %arg8[%dma_start3A_122, %dma_start3A_123, %dma_start3A_124] : memref<2x128x32xf32, #tpu.memory_space<vmem>> -> memref<1x128x32xf32, #tpu.memory_space<vmem>>
    %dma_start3A_126 = tpu.memref_squeeze %dma_start3A_125 : memref<1x128x32xf32, #tpu.memory_space<vmem>> -> memref<128x32xf32, #tpu.memory_space<vmem>>
    %dma_start3A_127 = arith.constant 0 : i32
    %dma_start3A_128 = tpu.memref_slice %arg5[%add3A_121, %dma_start3A_127] : memref<8192x32xf32, #tpu.memory_space<hbm>> -> memref<128x32xf32, #tpu.memory_space<hbm>>
    %dma_start3A_129 = arith.constant 0 : i32
    %dma_start3A_130 = tpu.memref_slice %arg5[%add3A_121, %dma_start3A_129] : memref<8192x32xf32, #tpu.memory_space<hbm>> -> memref<128x32xf32, #tpu.memory_space<hbm>>
    %dma_start3A_131 = arith.constant 0 : i32
    %dma_start3A_132 = arith.constant 0 : i32
    %dma_start3A_133 = tpu.memref_slice %arg8[%dma_start3A_122, %dma_start3A_131, %dma_start3A_132] : memref<2x128x32xf32, #tpu.memory_space<vmem>> -> memref<1x128x32xf32, #tpu.memory_space<vmem>>
    %dma_start3A_134 = tpu.memref_squeeze %dma_start3A_133 : memref<1x128x32xf32, #tpu.memory_space<vmem>> -> memref<128x32xf32, #tpu.memory_space<vmem>>
    tpu.enqueue_dma source(%dma_start3A_134 : memref<128x32xf32, #tpu.memory_space<vmem>>) target(%dma_start3A_130 : memref<128x32xf32, #tpu.memory_space<hbm>>) target_semaphore(%arg12 : memref<!tpu.dma_semaphore, #tpu.memory_space<semaphore_mem>>)
    %run_scoped3A_135 = arith.constant 1 : i32
    "tpu.region"() ({
      %run_scoped3A_168 = tpu.sem_alloc : memref<!tpu.dma_semaphore, #tpu.memory_space<semaphore_mem>>
      %dma_start3A_169 = arith.constant 0 : i32
      %dma_start3A_170 = tpu.memref_slice %arg7[%run_scoped3A_135, %dma_start3A_169] : memref<2x128xi32, #tpu.memory_space<vmem>> -> memref<1x128xi32, #tpu.memory_space<vmem>>
      %dma_start3A_171 = tpu.memref_squeeze %dma_start3A_170 : memref<1x128xi32, #tpu.memory_space<vmem>> -> memref<128xi32, #tpu.memory_space<vmem>>
      %dma_start3A_172 = arith.constant 0 : i32
      %dma_start3A_173 = tpu.memref_slice %arg10[%dma_start3A_172] : memref<8192xf32, #tpu.memory_space<vmem_shared>> -> memref<8192xf32, #tpu.memory_space<vmem_shared>>
      tpu.enqueue_indirect_dma source(%arg9 : memref<128xf32, #tpu.memory_space<vmem>>) target(%dma_start3A_173 : memref<8192xf32, #tpu.memory_space<vmem_shared>>) offsets(%dma_start3A_171 : memref<128xi32, #tpu.memory_space<vmem>>) semaphore(%run_scoped3A_168 : memref<!tpu.dma_semaphore, #tpu.memory_space<semaphore_mem>>) {add = true}
      %dma_wait3A_174 = arith.constant 0 : i32
      %dma_wait3A_175 = tpu.memref_slice %arg7[%run_scoped3A_135, %dma_wait3A_174] : memref<2x128xi32, #tpu.memory_space<vmem>> -> memref<1x128xi32, #tpu.memory_space<vmem>>
      %dma_wait3A_176 = tpu.memref_squeeze %dma_wait3A_175 : memref<1x128xi32, #tpu.memory_space<vmem>> -> memref<128xi32, #tpu.memory_space<vmem>>
      %dma_wait3A_177 = arith.constant 0 : i32
      %dma_wait3A_178 = tpu.memref_slice %arg10[%dma_wait3A_177] : memref<8192xf32, #tpu.memory_space<vmem_shared>> -> memref<8192xf32, #tpu.memory_space<vmem_shared>>
      tpu.wait_indirect_dma semaphore(%run_scoped3A_168 : memref<!tpu.dma_semaphore, #tpu.memory_space<semaphore_mem>>) src(%arg9 : memref<128xf32, #tpu.memory_space<vmem>>) dst(%dma_wait3A_178 : memref<8192xf32, #tpu.memory_space<vmem_shared>>)
      tpu.yield
    }) : () -> ()
    %dma_wait3A_136 = arith.constant 0 : i32
    %dma_wait3A_137 = arith.constant 0 : i32
    %dma_wait3A_138 = arith.constant 0 : i32
    %dma_wait3A_139 = tpu.memref_slice %arg8[%dma_wait3A_136, %dma_wait3A_137, %dma_wait3A_138] : memref<2x128x32xf32, #tpu.memory_space<vmem>> -> memref<1x128x32xf32, #tpu.memory_space<vmem>>
    %dma_wait3A_140 = tpu.memref_squeeze %dma_wait3A_139 : memref<1x128x32xf32, #tpu.memory_space<vmem>> -> memref<128x32xf32, #tpu.memory_space<vmem>>
    %dma_wait3A_141 = arith.constant 0 : i32
    %dma_wait3A_142 = tpu.memref_slice %arg5[%add3A_90, %dma_wait3A_141] : memref<8192x32xf32, #tpu.memory_space<hbm>> -> memref<128x32xf32, #tpu.memory_space<hbm>>
    %dma_wait3A_143 = arith.constant 0 : i32
    %dma_wait3A_144 = tpu.memref_slice %arg5[%add3A_90, %dma_wait3A_143] : memref<8192x32xf32, #tpu.memory_space<hbm>> -> memref<128x32xf32, #tpu.memory_space<hbm>>
    %dma_wait3A_145 = arith.constant 0 : i32
    %dma_wait3A_146 = arith.constant 0 : i32
    %dma_wait3A_147 = tpu.memref_slice %arg8[%dma_wait3A_136, %dma_wait3A_145, %dma_wait3A_146] : memref<2x128x32xf32, #tpu.memory_space<vmem>> -> memref<1x128x32xf32, #tpu.memory_space<vmem>>
    %dma_wait3A_148 = tpu.memref_squeeze %dma_wait3A_147 : memref<1x128x32xf32, #tpu.memory_space<vmem>> -> memref<128x32xf32, #tpu.memory_space<vmem>>
    tpu.wait_dma2 semaphore(%arg12 : memref<!tpu.dma_semaphore, #tpu.memory_space<semaphore_mem>>) src(%dma_wait3A_148 : memref<128x32xf32, #tpu.memory_space<vmem>>) dst(%dma_wait3A_144 : memref<128x32xf32, #tpu.memory_space<hbm>>)
    %dma_wait3A_149 = arith.constant 1 : i32
    %dma_wait3A_150 = arith.constant 0 : i32
    %dma_wait3A_151 = arith.constant 0 : i32
    %dma_wait3A_152 = tpu.memref_slice %arg8[%dma_wait3A_149, %dma_wait3A_150, %dma_wait3A_151] : memref<2x128x32xf32, #tpu.memory_space<vmem>> -> memref<1x128x32xf32, #tpu.memory_space<vmem>>
    %dma_wait3A_153 = tpu.memref_squeeze %dma_wait3A_152 : memref<1x128x32xf32, #tpu.memory_space<vmem>> -> memref<128x32xf32, #tpu.memory_space<vmem>>
    %dma_wait3A_154 = arith.constant 0 : i32
    %dma_wait3A_155 = tpu.memref_slice %arg5[%add3A_121, %dma_wait3A_154] : memref<8192x32xf32, #tpu.memory_space<hbm>> -> memref<128x32xf32, #tpu.memory_space<hbm>>
    %dma_wait3A_156 = arith.constant 0 : i32
    %dma_wait3A_157 = tpu.memref_slice %arg5[%add3A_121, %dma_wait3A_156] : memref<8192x32xf32, #tpu.memory_space<hbm>> -> memref<128x32xf32, #tpu.memory_space<hbm>>
    %dma_wait3A_158 = arith.constant 0 : i32
    %dma_wait3A_159 = arith.constant 0 : i32
    %dma_wait3A_160 = tpu.memref_slice %arg8[%dma_wait3A_149, %dma_wait3A_158, %dma_wait3A_159] : memref<2x128x32xf32, #tpu.memory_space<vmem>> -> memref<1x128x32xf32, #tpu.memory_space<vmem>>
    %dma_wait3A_161 = tpu.memref_squeeze %dma_wait3A_160 : memref<1x128x32xf32, #tpu.memory_space<vmem>> -> memref<128x32xf32, #tpu.memory_space<vmem>>
    tpu.wait_dma2 semaphore(%arg12 : memref<!tpu.dma_semaphore, #tpu.memory_space<semaphore_mem>>) src(%dma_wait3A_161 : memref<128x32xf32, #tpu.memory_space<vmem>>) dst(%dma_wait3A_157 : memref<128x32xf32, #tpu.memory_space<hbm>>)
    %barrier3A_162 = arith.constant 0 : index
    tpu.barrier barrier_id(%barrier3A_162)
    %eq3A_163 = arith.constant 0 : i32
    %eq3A_164 = arith.cmpi eq, %arg1, %eq3A_163 : i32
    %convert_element_type3A_165 = arith.extui %eq3A_164 : i1 to i32
    %cond3A_166 = arith.constant 0 : i32
    %cond3A_167 = arith.cmpi ne, %convert_element_type3A_165, %cond3A_166 : i32
    scf.if %cond3A_167 {
      "tpu.region"() ({
        %run_scoped3A_168 = tpu.sem_alloc : memref<!tpu.dma_semaphore, #tpu.memory_space<semaphore_mem>>
        %dma_start3A_169 = arith.constant 0 : i32
        %dma_start3A_170 = tpu.memref_slice %arg6[%arg0, %dma_start3A_169] : memref<2x8192xf32, #tpu.memory_space<hbm>> -> memref<1x8192xf32, #tpu.memory_space<hbm>>
        %dma_start3A_171 = tpu.memref_squeeze %dma_start3A_170 : memref<1x8192xf32, #tpu.memory_space<hbm>> -> memref<8192xf32, #tpu.memory_space<hbm>>
        tpu.enqueue_dma source(%arg10 : memref<8192xf32, #tpu.memory_space<vmem_shared>>) target(%dma_start3A_171 : memref<8192xf32, #tpu.memory_space<hbm>>) target_semaphore(%run_scoped3A_168 : memref<!tpu.dma_semaphore, #tpu.memory_space<semaphore_mem>>)
        %dma_wait3A_172 = arith.constant 0 : i32
        %dma_wait3A_173 = tpu.memref_slice %arg6[%arg0, %dma_wait3A_172] : memref<2x8192xf32, #tpu.memory_space<hbm>> -> memref<1x8192xf32, #tpu.memory_space<hbm>>
        %dma_wait3A_174 = tpu.memref_squeeze %dma_wait3A_173 : memref<1x8192xf32, #tpu.memory_space<hbm>> -> memref<8192xf32, #tpu.memory_space<hbm>>
        tpu.wait_dma2 semaphore(%run_scoped3A_168 : memref<!tpu.dma_semaphore, #tpu.memory_space<semaphore_mem>>) src(%arg10 : memref<8192xf32, #tpu.memory_space<vmem_shared>>) dst(%dma_wait3A_174 : memref<8192xf32, #tpu.memory_space<hbm>>)
        tpu.yield
      }) : () -> ()
    } else {
    }
    return
  }
}

module attributes {stable_mosaic.version = 14 : i64} {
  func.func @_argmin_body(%arg0: i32, %arg1: memref<1024x1xf32, #tpu.memory_space<vmem>>, %arg2: memref<1x8192xf32, #tpu.memory_space<vmem>>, %arg3: memref<1024x32xf32, #tpu.memory_space<vmem>>, %arg4: memref<8192x32xf32, #tpu.memory_space<vmem>>, %arg5: memref<1024xi32, #tpu.memory_space<vmem>>) attributes {dimension_semantics = [#tpu.dimension_semantics<arbitrary>], iteration_bounds = array<i64: 8>, scalar_prefetch = 0 : i64, scratch_operands = 0 : i64, tpu.core_type = #tpu.core_type<tc>, window_params = [{transform_indices = @transform_0, window_bounds = array<i64: 1024, 1>}, {pipeline_mode = #tpu.pipeline_mode<synchronous>, transform_indices = @transform_1, window_bounds = array<i64: 1, 8192>}, {transform_indices = @transform_2, window_bounds = array<i64: 1024, 32>}, {pipeline_mode = #tpu.pipeline_mode<synchronous>, transform_indices = @transform_3, window_bounds = array<i64: 8192, 32>}, {transform_indices = @transform_4, window_bounds = array<i64: 1024>}]} {
    %get3A = arith.constant 0 : index
    %get3A_0 = arith.constant 0 : index
    %get3A_1 = vector.load %arg3[%get3A, %get3A_0] : memref<1024x32xf32, #tpu.memory_space<vmem>>, vector<1024x32xf32>
    %mul3A = arith.constant -2.000000e+00 : f32
    %mul3A_2 = vector.broadcast %mul3A : f32 to vector<1024x32xf32>
    %mul3A_3 = arith.mulf %get3A_1, %mul3A_2 : vector<1024x32xf32>
    %get3A_4 = arith.constant 0 : index
    %get3A_5 = arith.constant 0 : index
    %get3A_6 = vector.load %arg4[%get3A_4, %get3A_5] : memref<8192x32xf32, #tpu.memory_space<vmem>>, vector<8192x32xf32>
    %dot_general3A = arith.constant dense<0.000000e+00> : vector<1024x8192xf32>
    %dot_general3A_7 = tpu.matmul %mul3A_3, %get3A_6, %dot_general3A {dimension_numbers = #tpu.dot_dimension_numbers<[1], [1], [0], [0], [0, 0, 1, 0], [], []>, transpose_lhs_hint = false} : vector<1024x32xf32>, vector<8192x32xf32>, vector<1024x8192xf32> -> vector<1024x8192xf32>
    %get3A_8 = arith.constant 0 : index
    %get3A_9 = arith.constant 0 : index
    %get3A_10 = vector.load %arg1[%get3A_8, %get3A_9] : memref<1024x1xf32, #tpu.memory_space<vmem>>, vector<1024x1xf32>
    %get3A_11 = arith.constant 0 : index
    %get3A_12 = arith.constant 0 : index
    %get3A_13 = vector.load %arg2[%get3A_11, %get3A_12] : memref<1x8192xf32, #tpu.memory_space<vmem>>, vector<1x8192xf32>
    %add3A = vector.broadcast %get3A_10 : vector<1024x1xf32> to vector<1024x8192xf32>
    %add3A_14 = vector.broadcast %get3A_13 : vector<1x8192xf32> to vector<1024x8192xf32>
    %add3A_15 = arith.addf %add3A, %add3A_14 : vector<1024x8192xf32>
    %add3A_16 = arith.addf %add3A_15, %dot_general3A_7 : vector<1024x8192xf32>
    %max3A = arith.constant 0.000000e+00 : f32
    %max3A_17 = vector.broadcast %max3A : f32 to vector<1024x8192xf32>
    %max3A_18 = arith.maximumf %add3A_16, %max3A_17 : vector<1024x8192xf32>
    %iota3A = tpu.iota {dimensions = array<i32: 1>} : vector<1024x4096xi32>
    %convert_element_type3A = arith.sitofp %iota3A : vector<1024x4096xi32> to vector<1024x4096xf32>
    %slice3A = vector.extract_strided_slice %max3A_18 {offsets = [0, 0], sizes = [1024, 4096], strides = [1, 1]} : vector<1024x8192xf32> to vector<1024x4096xf32>
    %reduce_min3A = arith.constant dense<0x7F800000> : vector<1024xf32>
    %reduce_min3A_19 = vector.multi_reduction <minimumf>, %slice3A, %reduce_min3A [1] : vector<1024x4096xf32> to vector<1024xf32>
    %broadcast_in_dim3A = vector.shape_cast %reduce_min3A_19 : vector<1024xf32> to vector<1024x1xf32>
    %eq3A = vector.broadcast %broadcast_in_dim3A : vector<1024x1xf32> to vector<1024x4096xf32>
    %eq3A_20 = arith.cmpf oeq, %slice3A, %eq3A : vector<1024x4096xf32>
    %jit3A = arith.constant 1.000000e+09 : f32
    %broadcast_in_dim3A_21 = vector.broadcast %jit3A : f32 to vector<1024x4096xf32>
    %select_n3A = arith.select %eq3A_20, %convert_element_type3A, %broadcast_in_dim3A_21 : vector<1024x4096xi1>, vector<1024x4096xf32>
    %reduce_min3A_22 = arith.constant dense<0x7F800000> : vector<1024xf32>
    %reduce_min3A_23 = vector.multi_reduction <minimumf>, %select_n3A, %reduce_min3A_22 [1] : vector<1024x4096xf32> to vector<1024xf32>
    %squeeze3A = vector.shape_cast %broadcast_in_dim3A : vector<1024x1xf32> to vector<1024xf32>
    %slice3A_24 = vector.extract_strided_slice %max3A_18 {offsets = [0, 4096], sizes = [1024, 4096], strides = [1, 1]} : vector<1024x8192xf32> to vector<1024x4096xf32>
    %reduce_min3A_25 = arith.constant dense<0x7F800000> : vector<1024xf32>
    %reduce_min3A_26 = vector.multi_reduction <minimumf>, %slice3A_24, %reduce_min3A_25 [1] : vector<1024x4096xf32> to vector<1024xf32>
    %broadcast_in_dim3A_27 = vector.shape_cast %reduce_min3A_26 : vector<1024xf32> to vector<1024x1xf32>
    %eq3A_28 = vector.broadcast %broadcast_in_dim3A_27 : vector<1024x1xf32> to vector<1024x4096xf32>
    %eq3A_29 = arith.cmpf oeq, %slice3A_24, %eq3A_28 : vector<1024x4096xf32>
    %jit3A_30 = arith.constant 1.000000e+09 : f32
    %broadcast_in_dim3A_31 = vector.broadcast %jit3A_30 : f32 to vector<1024x4096xf32>
    %select_n3A_32 = arith.select %eq3A_29, %convert_element_type3A, %broadcast_in_dim3A_31 : vector<1024x4096xi1>, vector<1024x4096xf32>
    %reduce_min3A_33 = arith.constant dense<0x7F800000> : vector<1024xf32>
    %reduce_min3A_34 = vector.multi_reduction <minimumf>, %select_n3A_32, %reduce_min3A_33 [1] : vector<1024x4096xf32> to vector<1024xf32>
    %squeeze3A_35 = vector.shape_cast %broadcast_in_dim3A_27 : vector<1024x1xf32> to vector<1024xf32>
    %convert_element_type3A_36 = arith.truncf %squeeze3A : vector<1024xf32> to vector<1024xbf16>
    %convert_element_type3A_37 = arith.extf %convert_element_type3A_36 : vector<1024xbf16> to vector<1024xf32>
    %le3A = arith.cmpf ole, %convert_element_type3A_37, %squeeze3A_35 : vector<1024xf32>
    %add3A_38 = arith.constant 4.096000e+03 : f32
    %add3A_39 = vector.broadcast %add3A_38 : f32 to vector<1024xf32>
    %add3A_40 = arith.addf %reduce_min3A_34, %add3A_39 : vector<1024xf32>
    %select_n3A_41 = arith.select %le3A, %reduce_min3A_23, %add3A_40 : vector<1024xi1>, vector<1024xf32>
    %convert_element_type3A_42 = arith.fptosi %select_n3A_41 : vector<1024xf32> to vector<1024xi32>
    %swap3A = arith.constant 0 : index
    %swap3A_43 = vector.load %arg5[%swap3A] : memref<1024xi32, #tpu.memory_space<vmem>>, vector<1024xi32>
    tpu.vector_store %arg5[%swap3A], %convert_element_type3A_42 {strides = array<i32>} : memref<1024xi32, #tpu.memory_space<vmem>>, vector<1024xi32>,
    return
  }
  func.func @transform_0(%arg0: i32) -> (i32, i32) {
    %c0_i32 = arith.constant 0 : i32
    %c0_i32_0 = arith.constant 0 : i32
    return %arg0, %c0_i32 : i32, i32
  }
  func.func @transform_1(%arg0: i32) -> (i32, i32) {
    %c0_i32 = arith.constant 0 : i32
    %c0_i32_0 = arith.constant 0 : i32
    %c0_i32_1 = arith.constant 0 : i32
    return %c0_i32, %c0_i32_0 : i32, i32
  }
  func.func @transform_2(%arg0: i32) -> (i32, i32) {
    %c0_i32 = arith.constant 0 : i32
    %c0_i32_0 = arith.constant 0 : i32
    return %arg0, %c0_i32 : i32, i32
  }
  func.func @transform_3(%arg0: i32) -> (i32, i32) {
    %c0_i32 = arith.constant 0 : i32
    %c0_i32_0 = arith.constant 0 : i32
    %c0_i32_1 = arith.constant 0 : i32
    return %c0_i32, %c0_i32_0 : i32, i32
  }
  func.func @transform_4(%arg0: i32) -> i32 {
    %c0_i32 = arith.constant 0 : i32
    return %arg0 : i32
  }
}

module attributes {stable_mosaic.version = 14 : i64} {
  func.func @_loss_body(%arg0: memref<8192x32xf32, #tpu.memory_space<vmem>>, %arg1: memref<8192x32xf32, #tpu.memory_space<vmem>>, %arg2: memref<2x8192xf32, #tpu.memory_space<vmem>>, %arg3: memref<8192x32xf32, #tpu.memory_space<vmem>>, %arg4: memref<1x1xf32, #tpu.memory_space<vmem>>, %arg5: memref<1x1xf32, #tpu.memory_space<vmem>>) attributes {dimension_semantics = [], scalar_prefetch = 0 : i64, scratch_operands = 0 : i64, tpu.core_type = #tpu.core_type<tc>} {
    %get3A = arith.constant 0 : index
    %get3A_0 = arith.constant 0 : index
    %get3A_1 = vector.load %arg0[%get3A, %get3A_0] : memref<8192x32xf32, #tpu.memory_space<vmem>>, vector<8192x32xf32>
    %get3A_2 = arith.constant 0 : index
    %get3A_3 = arith.constant 0 : index
    %get3A_4 = vector.load %arg1[%get3A_2, %get3A_3] : memref<8192x32xf32, #tpu.memory_space<vmem>>, vector<8192x32xf32>
    %sub3A = arith.subf %get3A_4, %get3A_1 : vector<8192x32xf32>
    %add3A = arith.addf %get3A_1, %sub3A : vector<8192x32xf32>
    %swap3A = arith.constant 0 : index
    %swap3A_5 = arith.constant 0 : index
    %swap3A_6 = vector.load %arg3[%swap3A, %swap3A_5] : memref<8192x32xf32, #tpu.memory_space<vmem>>, vector<8192x32xf32>
    tpu.vector_store %arg3[%swap3A, %swap3A_5], %add3A {strides = array<i32>} : memref<8192x32xf32, #tpu.memory_space<vmem>>, vector<8192x32xf32>,
    %mul3A = arith.mulf %sub3A, %sub3A : vector<8192x32xf32>
    %reduce_sum3A = vector.shape_cast %mul3A : vector<8192x32xf32> to vector<1x8192x32xf32>
    %reduce_sum3A_7 = arith.constant dense<0.000000e+00> : vector<1xf32>
    %reduce_sum3A_8 = vector.multi_reduction <add>, %reduce_sum3A, %reduce_sum3A_7 [1, 2] : vector<1x8192x32xf32> to vector<1xf32>
    %reduce_sum3A_9 = vector.shape_cast %reduce_sum3A_8 : vector<1xf32> to vector<1x1x1xf32>
    %reduce_sum3A_10 = vector.extract %reduce_sum3A_9[0, 0, 0] : f32 from vector<1x1x1xf32>
    %mul3A_11 = arith.constant 3.81469727E-6 : f32
    %mul3A_12 = arith.mulf %reduce_sum3A_10, %mul3A_11 : f32
    %reshape3A = vector.broadcast %mul3A_12 : f32 to vector<1x1xf32>
    %swap3A_13 = arith.constant 0 : index
    %swap3A_14 = arith.constant 0 : index
    %swap3A_15 = vector.load %arg4[%swap3A_13, %swap3A_14] : memref<1x1xf32, #tpu.memory_space<vmem>>, vector<1x1xf32>
    tpu.vector_store %arg4[%swap3A_13, %swap3A_14], %reshape3A {strides = array<i32>} : memref<1x1xf32, #tpu.memory_space<vmem>>, vector<1x1xf32>,
    %get3A_16 = arith.constant 0 : index
    %get3A_17 = arith.constant 0 : index
    %get3A_18 = vector.load %arg2[%get3A_16, %get3A_17] : memref<2x8192xf32, #tpu.memory_space<vmem>>, vector<1x8192xf32>
    %get3A_19 = arith.constant 1 : index
    %get3A_20 = arith.constant 0 : index
    %get3A_21 = vector.load %arg2[%get3A_19, %get3A_20] : memref<2x8192xf32, #tpu.memory_space<vmem>>, vector<1x8192xf32>
    %add3A_22 = arith.addf %get3A_18, %get3A_21 : vector<1x8192xf32>
    %mul3A_23 = arith.constant 1.22070313E-4 : f32
    %mul3A_24 = vector.broadcast %mul3A_23 : f32 to vector<1x8192xf32>
    %mul3A_25 = arith.mulf %add3A_22, %mul3A_24 : vector<1x8192xf32>
    %add3A_26 = arith.constant 1.000000e-10 : f32
    %add3A_27 = vector.broadcast %add3A_26 : f32 to vector<1x8192xf32>
    %add3A_28 = arith.addf %mul3A_25, %add3A_27 : vector<1x8192xf32>
    %log3A = math.log %add3A_28 : vector<1x8192xf32>
    %mul3A_29 = arith.mulf %mul3A_25, %log3A : vector<1x8192xf32>
    %reduce_sum3A_30 = vector.shape_cast %mul3A_29 : vector<1x8192xf32> to vector<1x1x8192xf32>
    %reduce_sum3A_31 = arith.constant dense<0.000000e+00> : vector<1xf32>
    %reduce_sum3A_32 = vector.multi_reduction <add>, %reduce_sum3A_30, %reduce_sum3A_31 [1, 2] : vector<1x1x8192xf32> to vector<1xf32>
    %reduce_sum3A_33 = vector.shape_cast %reduce_sum3A_32 : vector<1xf32> to vector<1x1x1xf32>
    %reduce_sum3A_34 = vector.extract %reduce_sum3A_33[0, 0, 0] : f32 from vector<1x1x1xf32>
    %neg3A = arith.constant 0.000000e+00 : f32
    %neg3A_35 = arith.subf %neg3A, %reduce_sum3A_34 : f32
    %exp3A = math.exp %neg3A_35 : f32
    %reshape3A_36 = vector.broadcast %exp3A : f32 to vector<1x1xf32>
    %swap3A_37 = arith.constant 0 : index
    %swap3A_38 = arith.constant 0 : index
    %swap3A_39 = vector.load %arg5[%swap3A_37, %swap3A_38] : memref<1x1xf32, #tpu.memory_space<vmem>>, vector<1x1xf32>
    tpu.vector_store %arg5[%swap3A_37, %swap3A_38], %reshape3A_36 {strides = array<i32>} : memref<1x1xf32, #tpu.memory_space<vmem>>, vector<1x1xf32>,
    return
  }
}

</mosaic_0001>

<sc_bundles>
// kernel: kernel.5.cloned.1.call-start
scs
__scs_entry_jumppad:
0x0: {  	(pc) =	sbr.rel $0x88, $3  }
0x1: {  	(tag) =	ssettag $0x0;
	lr =	simm.s32 $0x1  }
0x2: {  	[smem:$0x3F9F] =	sst lr;
	_ =	strace $0xD0000000  }
0x3: {  	_ = 	snop  }
0x4: {  	_ = 	snop  }
0x5: {  	_ = 	snop  }
0x6: {  	_ = 	snop  }
0x7: {  	_ = 	snop  }
__scs_overlays_trampoline_lowered:
0x8: {  	[smem:$0x3FAE] =	sst s0  }
0x9: {  	[smem:$0x3FAF] =	sst s1  }
0xa: {  	[smem:$0x3FB0] =	sst s2  }
0xb: {  	[smem:$0x3FB1] =	sst s3  }
0xc: {  	[smem:$0x3FB2] =	sst s4  }
0xd: {  	[smem:$0x3FB3] =	sst s5  }
0xe: {  	[smem:$0x3FB4] =	sst s6  }
0xf: {  	[smem:$0x3FB5] =	sst s7  }
0x10: {  	[smem:$0x3FB6] =	sst s8  }
0x11: {  	[smem:$0x3FB7] =	sst s9;
	s0 =	simm.s32 @!p0 $0x0  }
0x12: {  	s1 =	sld [smem:$0x3F9D];
	s0 =	simm.s32 @p0 $0x1  }
0x13: {  	[smem:$0x3FB8] =	sst s0;
	s0 =	simm.s32 @!p1 $0x0  }
0x14: {  	s2 =	sld [smem:$0x3F9C];
	s0 =	simm.s32 @p1 $0x1  }
0x15: {  	[smem:$0x3FB9] =	sst s0;
	s0 =	simm.s32 @!p2 $0x0  }
0x16: {  	s3 =	sld [smem:$0x3FDB];
	s0 =	simm.s32 @p2 $0x1  }
0x17: {  	s4 =	simm.s32 $0x1BF5;
	[smem:$0x3FBB] =	sst s0  }
0x18: {  	s0 =	sld [smem:$0x3F9E];
	_ =	swait.ge [sflag:s4], $0x0  }
0x19: {  	s7 =	sld [smem:$0x3F9F]  }
0x1a: {  	s8 =	sadd.s32 $0xFFFFE003, lr  }
0x1b: {  	s9 =	sadd.s32 $0xFFFFFEF7, lr;
	s5 =	simm.s32 $0xFFFFFFFF;
	p2 =	slt.u32 s8, $0xFFFFF086  }
0x1c: {  	p1 =	slt.u32 s9, $0xF7A;
	s5 =	simm.s32 @!p2 $0x0  }
0x1d: {  	s5 =	simm.s32 @p1 $0x1;
	p0 =	seq.s32 s7, s2  }
0x1e: {  	s7 =	smul.u32 @!p0 $0xF7A, s2;
	p2 =	seq.s32 @!p0 s5, $0x0  }
0x1f: {  	s9 =	smul.u32 $0xF7A, s1;
	s8 =	simm.s32 @!p0 $0x1BF5;
	p2 =	por !p2, p0  }
0x20: {  	[sflag:s8] =	ssyncset.s32 @!p0 $0xFFFFF086;
	s6 =	sadd.s32 @!p0 s3, s7;
	s7 =	simm.s32 @!p0 $0x108  }
0x21: {  	s3 =	sadd.s32 s3, s9;
	s6 =	sadd.s32 @!p0 $0x88, s6;
	s7 =	simm.s32 @p2 $0x1082  }
0x22: {  	[simem:s7], [sflag:s8] =	dma.local @!p0 [hbm:s6], $0xF7A  }
0x23: {  	s9 =	sor.u32 $0xD0000000, s2;
	s6 =	simm.s32 $0x108;
	_ =	swait.ge @!p0 [sflag:s8], $0x0  }
0x24: {  	s3 =	sadd.s32 $0x88, s3;
	s6 =	simm.s32 @!p1 $0x1082;
	[sflag:s4] =	ssyncset.s32 $0xFFFFF086  }
0x25: {  	[simem:s6], [sflag:s4] =	dma.local [hbm:s3], $0xF7A  }
0x26: {  	[smem:$0x3F9F] =	sst s1;
	(tag) =	ssettag s2;
	_ =	strace s9  }
0x27: {  	s1 =	sld [smem:$0x3FAF]  }
0x28: {  	s2 =	sld [smem:$0x3FB0]  }
0x29: {  	s4 =	sld [smem:$0x3FB2]  }
0x2a: {  	p0 =	seq.s32 s5, $0x0;
	s5 =	sld [smem:$0x3FB3]  }
0x2b: {  	s6 =	sld [smem:$0x3FB4]  }
0x2c: {  	s7 =	sld [smem:$0x3FB5]  }
0x2d: {  	s3 =	simm.s32 $0x108;
	s8 =	sld [smem:$0x3FB6]  }
0x2e: {  	s3 =	simm.s32 @!p0 $0x1082;
	s9 =	sld [smem:$0x3FB7]  }
0x2f: {  	lr =	sadd.s32 s0, s3;
	s0 =	sld [smem:$0x3FAE]  }
0x30: {  	s3 =	sld [smem:$0x3FB1]  }
0x31: {  	[smem:$0x3FBA] =	sst s10  }
0x32: {  	s10 =	sld [smem:$0x3FB8];
	_ =	sdelay $0x3  }
0x33: {  	p0 =	seq.s32 s10, $0x1;
	s10 =	sld [smem:$0x3FBA];
	_ =	sdelay $0x3  }
0x34: {  	[smem:$0x3FBA] =	sst s10  }
0x35: {  	s10 =	sld [smem:$0x3FB9];
	_ =	sdelay $0x3  }
0x36: {  	p1 =	seq.s32 s10, $0x1;
	s10 =	sld [smem:$0x3FBA];
	_ =	sdelay $0x3  }
0x37: {  	[smem:$0x3FBA] =	sst s10  }
0x38: {  	s10 =	sld [smem:$0x3FBB]  }
0x39: {  	_ = 	snop;
	(pc) =	sbr.ind lr, $3  }
0x3a: {  	_ = 	snop  }
0x3b: {  	_ = 	snop  }
0x3c: {  	p2 =	seq.s32 s10, $0x1;
	s10 =	sld [smem:$0x3FBA]  }
0x3d: {  	_ =	shalt  }
0x3e: {  	_ =	shalt  }
0x3f: {  	_ =	shalt  }
0x40: {  	_ =	shalt  }
0x41: {  	_ =	shalt  }
0x42: {  	_ =	shalt  }
0x43: {  	_ =	shalt  }
0x44: {  	_ =	shalt  }
0x45: {  	_ =	shalt  }
0x46: {  	_ =	shalt  }
0x47: {  	_ =	shalt  }
0x48: {  	_ =	shalt  }
0x49: {  	_ =	shalt  }
0x4a: {  	_ =	shalt  }
0x4b: {  	_ =	shalt  }
0x4c: {  	_ =	shalt  }
0x4d: {  	_ =	shalt  }
0x4e: {  	_ =	shalt  }
0x4f: {  	_ =	shalt  }
0x50: {  	_ =	shalt  }
0x51: {  	_ =	shalt  }
0x52: {  	_ =	shalt  }
0x53: {  	_ =	shalt  }
0x54: {  	_ =	shalt  }
0x55: {  	_ =	shalt  }
0x56: {  	_ =	shalt  }
0x57: {  	_ =	shalt  }
0x58: {  	_ =	shalt  }
0x59: {  	_ =	shalt  }
0x5a: {  	_ =	shalt  }
0x5b: {  	_ =	shalt  }
0x5c: {  	_ =	shalt  }
0x5d: {  	_ =	shalt  }
0x5e: {  	_ =	shalt  }
0x5f: {  	_ =	shalt  }
0x60: {  	_ =	shalt  }
0x61: {  	_ =	shalt  }
0x62: {  	_ =	shalt  }
0x63: {  	_ =	shalt  }
0x64: {  	_ =	shalt  }
0x65: {  	_ =	shalt  }
0x66: {  	_ =	shalt  }
0x67: {  	_ =	shalt  }
0x68: {  	_ =	shalt  }
0x69: {  	_ =	shalt  }
0x6a: {  	_ =	shalt  }
0x6b: {  	_ =	shalt  }
0x6c: {  	_ =	shalt  }
0x6d: {  	_ =	shalt  }
0x6e: {  	_ =	shalt  }
0x6f: {  	_ =	shalt  }
0x70: {  	_ =	shalt  }
0x71: {  	_ =	shalt  }
0x72: {  	_ =	shalt  }
0x73: {  	_ =	shalt  }
0x74: {  	_ =	shalt  }
0x75: {  	_ =	shalt  }
0x76: {  	_ =	shalt  }
0x77: {  	_ =	shalt  }
0x78: {  	_ =	shalt  }
0x79: {  	_ =	shalt  }
0x7a: {  	_ =	shalt  }
0x7b: {  	_ =	shalt  }
0x7c: {  	_ =	shalt  }
0x7d: {  	_ =	shalt  }
0x7e: {  	_ =	shalt  }
0x7f: {  	_ =	shalt  }
0x80: {  	_ =	shalt  }
0x81: {  	_ =	shalt  }
0x82: {  	_ =	shalt  }
0x83: {  	_ =	shalt  }
0x84: {  	_ =	shalt  }
0x85: {  	_ =	shalt  }
0x86: {  	_ =	shalt  }
0x87: {  	_ =	shalt  }
.Lfunc_end0:
.L_simem_size_0:
called_computation_lowered:
.L_overlay_start_0:
0x88: {  	s2 =	sld [smem:$0x3FD9]  }
0x89: {  	s3 =	sld [smem:$0x3FFE];
	_ =	sdelay $0x1  }
0x8a: {  	s1 =	srdreg.scid  }
0x8b: {  	s0 =	sand.u32 $0x1, s1  }
0x8c: {  	s14 =	sshll.u32 s0, $0xA;
	s2 =	sadd.s32 s3, s2  }
0x8d: {  	s2 =	sadd.s32 s2, s14  }
0x8e: {  	[smem:$0x3FC6] =	sst s2  }
0x8f: {  	_ = 	snop  }
0x90: {  	s2 =	sld [smem:$0x3FD0];
	_ =	sdelay $0x2  }
0x91: {  	s15 =	simm.s32 $0xA;
	s4 =	simm.s32 $0x10  }
0x92: {  	[smem:s4], [sflag:s15] =	dma.local [hbm:s2], $0x1  }
0x93: {  	_ =	swait.eq [sflag:s15], $0x1  }
0x94: {  	[sflag:s15] =	ssyncset.done $0x0  }
0x95: {  	[sflag:s15] =	ssyncadd.s32 $0xFFFFFFFF  }
0x96: {  	s16 =	sld [smem:$0x10];
	(tm) =	ssettm $0x1  }
0x97: {  	s17 =	sld [smem:$0x3FFB];
	_ =	sdelay $0x3  }
0x98: {  	_ =	strace s17  }
0x99: {  	s3 =	sld [smem:$0x3FFC];
	_ =	sdelay $0x3  }
0x9a: {  	_ =	strace s3  }
0x9b: {  	s3 =	sld [smem:$0x3FFD];
	_ =	sdelay $0x3  }
0x9c: {  	_ =	strace s3  }
0x9d: {  	_ =	strace $0x8FFFFFFF  }
0x9e: {  	s18 =	sld [smem:$0x3FDB];
	_ =	sdelay $0x1  }
0x9f: {  	s19 =	simm.s32 $_scs_section_size  }
0xa0: {  	s5 =	simm.s32 $_size__tile_overlayer_lowered;
	s6 =	simm.s32 $_tile_overlayer_lowered  }
0xa1: {  	s22 =	simm.s32 $0x1BFF;
	s21 =	sshll.u32 s6, $0x1;
	s3 =	sadd.s32 s19, s18  }
0xa2: {  	s7 =	simm.s32 $0x0;
	s20 =	sshll.u32 s5, $0x1;
	s5 =	sadd.s32 s21, s3  }
0xa3: {  	[timem:s7], [sflag:s22] =	dma.local [hbm:s5], s20  }
0xa4: {  	_ =	swait.ge [sflag:s22], s20  }
0xa5: {  	s4 =	ssub.s32 $0x0, s20;
	[sflag:s22] =	ssyncset.done $0x0  }
0xa6: {  	[sflag:s22] =	ssyncadd.s32 s4;
	_ =	sdelay $0x1  }
0xa7: {  	s23 =	simm.s32 $0x1B8B  }
0xa8: {  	_ =	swait.ge [sflag:s23], $0x1  }
0xa9: {  	[sflag:s23] =	ssyncset.done $0x0  }
0xaa: {  	s25 =	simm.s32 $0x1B8E;
	s24 =	sld [smem:$0x3FFE];
	[sflag:s23] =	ssyncadd.s32 $0xFFFFFFFF  }
0xab: {  	s26 =	simm.s32 $execute0_lowered;
	[smem:$0x3FD2] =	sst s25  }
0xac: {  	s5 =	sshll.u32 s26, $0x1;
	_ =	strace $0x80000046;
	[dreg:$0x1] =	wrdreg $0xFFFFFFFF  }
0xad: {  	s28 =	simm.s32 $_size_execute0_lowered;
	s3 =	sadd.s32 s3, s5;
	[dreg:$0x0] =	wrdreg $0x0  }
0xae: {  	s5 =	sshll.u32 s28, $0x1;
	[dreg:$0x2] =	wrdreg s3  }
0xaf: {  	[dreg:$0x3] =	wrdreg s5  }
0xb0: {  	[dreg:$0x4] =	wrdreg $0xC0  }
0xb1: {  	_ =	task [dreg:s7], $0x5FFFF  }
0xb2: {  	[dreg:$0x1] =	wrdreg $0xFFFFFFFF  }
0xb3: {  	[dreg:$0x0] =	wrdreg $0x60  }
0xb4: {  	[dreg:$0x2] =	wrdreg s16  }
0xb5: {  	[dreg:$0x3] =	wrdreg s24  }
0xb6: {  	[dreg:$0x4] =	wrdreg $0x21800  }
0xb7: {  	[dreg:$0x5] =	wrdreg $0x9  }
0xb8: {  	_ =	task.clear_ibuf [dreg:s7], $0x6FFFF;
	_ =	strace $0x90000046  }
0xb9: {  	s29 =	simm.s32 $0x9;
	_ =	strace $0x80000048  }
0xba: {  	_ =	swait.ge [sflag:s29], $0x1  }
0xbb: {  	[sflag:s29] =	ssyncadd.s32 $0xFFFFFFFF  }
0xbc: {  	_ =	strace $0x90000048  }
0xbd: {  	_ =	sfence  }
0xbe: {  	s30 =	sld [smem:$0x0];
	_ =	sdelay $0x2  }
0xbf: {  	s31 =	sshll.u32 s1, $0xD;
	s1 =	sshrl.u32 s1, $0x2  }
0xc0: {  	s3 =	sand.u32 $0x4000, s31;
	s1 =	sadd.s32 s1, s30  }
0xc1: {  	s0 =	sor.u32 s3, s0;
	s1 =	sshll.u32 s1, $0x11  }
0xc2: {  	s0 =	sor.u32 s1, s0  }
0xc3: {  	s0 =	sadd.s32 $0x8F2B, s0  }
0xc4: {  	[sflag:s0] =	ssyncadd.remote.s32 $0x1  }
0xc5: {  	_ =	sfence.sel $0xFFFF  }
0xc6: {  	[dreg:$0x0] =	wrdreg $0xFFFFFFFF;
	(pc) =	sbr.abs _section_cstart, $3  }
0xc7: {  	[dreg:$0x1] =	wrdreg $0xFFFFFFFF  }
0xc8: {  	_ =	task.clear_ibuf [dreg:s7], $0x2FFFF;
	_ =	strace $0x9FFFFFFF  }
0xc9: {  	(tm) =	ssettm $0x7FFFFFFF  }
tec
execute0_lowered:
.L_overlay_start_1:
0x0: {  	(tag) =	ssettag $0x1  }
0x1: {  	s0 =	srdreg.scid;
	s9 =	stileid.u32  }
0x2: {  	s1 =	rddreg [dreg:$0x0];
	s19 =	sand.u32 $0x1, s0;
	s31 =	sshll.u32 s9, $0x1  }
0x3: {  	s18 =	rddreg [dreg:$0x1];
	s14 =	sor.u32 s19, s31  }
0x4: {  	s2 =	rddreg [dreg:$0x2];
	s3 =	simm.s32 $0x0;
	s4 =	sshll.u32 s14, $0x5  }
0x5: {  	s5 =	simm.s32 $0x3;
	[smem:$0x7FF] =	sst s3;
	s4 =	sadd.s32 s4, s18  }
0x6: {  	s0 =	rddreg [dreg:$0x3];
	_ =	strace $0x80000047;
	s4 =	sadd.s32 $0x800, s4  }
0x7: {  	[tilespmem:s3], [sflag:$0x3] =	stream.linear.gather [hbm4b:s4+s3], $0x100, $0x38;
	[tilespmem:$0x2380] =	vst v63  }
0x8: {  	_ =	swait.ge [sflag:s5], $0x100  }
0x9: {  	[sflag:s5] =	ssyncset.done $0x0  }
0xa: {  	s6 =	simm.s32 $0x80;
	s7 =	simm.s32 $0x100;
	[sflag:s5] =	ssyncadd.s32 $0xFFFFFF00  }
0xb: {  	[tilespmem:s7], [sflag:$0x1] =	stream.indirect.gather [hbm4b:s1+s6], $0x20, s3, s6, $0xb8;
	[tilespmem:$0x2380] =	vst v63  }
0xc: {  	s8 =	simm.s32 $0x1100  }
0xd: {  	v0 =	vimm.f32 $1.000000000e+00;
	[tilespmem:s8], [sflag:$0x1] =	stream.indirect.gather [hbm4b:s1+s6], $0x20, s6, s6, $0xb8;
	[tilespmem:$0x2380] =	vst v63  }
0xe: {  	[tilespmem:$0x2170] =	vst v0  }
0xf: {  	[tilespmem:$0x2160] =	vst v0  }
0x10: {  	[tilespmem:$0x2150] =	vst v0  }
0x11: {  	[tilespmem:$0x2140] =	vst v0  }
0x12: {  	[tilespmem:$0x2130] =	vst v0  }
0x13: {  	[tilespmem:$0x2120] =	vst v0  }
0x14: {  	s12 =	sadd.s32 $0xC00, s18;
	p0 =	sne.s32 s9, $0x0;
	[tilespmem:$0x2100] =	vst v0  }
0x15: {  	s9 =	sshrl.u32 @!p0 s2, $0x3;
	s11 =	simm.s32 @!p0 $0x1C03;
	s10 =	simm.s32 @!p0 $0x3;
	[tilespmem:$0x2110] =	vst v0  }
0x16: {  	[spmem:s9], [sflag:s11] =	dma.local @!p0 [hbm:s12], $0x400  }
0x17: {  	_ =	swait.ge @!p0 [sflag:s10], $0x400  }
0x18: {  	[sflag:s10] =	ssyncset.done @!p0 $0x0  }
0x19: {  	[sflag:s10] =	ssyncadd.s32 @!p0 $0xFFFFFC00  }
0x1a: {  	s13 =	simm.s32 $0x1;
	[bflag:$0x0] =	sbarrier.arrive $0xFFFF  }
0x1b: {  	s14 =	sshll.u32 s14, $0xA;
	_ =	swait.ge [sflag:s13], $0x1000  }
0x1c: {  	s16 =	sadd.s32 s14, s18;
	[sflag:s13] =	ssyncset.done $0x0  }
0x1d: {  	s14 =	sadd.s32 $0x1000, s16;
	[sflag:s13] =	ssyncadd.s32 $0xFFFFF000  }
0x1e: {  	[hbm4b:s14+s3] =	stream.linear.scatter [tilespmem:s7], [sflag:$0x2], $0x1000, $0x38;
	[tilespmem:$0x2380] =	vst v63  }
0x1f: {  	s15 =	simm.s32 $0x2100  }
0x20: {  	[spmem:s2] =	stream.indirect.scatter.add.f32 [tilespmem:s15], [sflag:$0x3], $0x1, s3, s6, $0xb8;
	[tilespmem:$0x2380] =	vst v63  }
0x21: {  	_ =	swait.ge [sflag:s5], $0x80  }
0x22: {  	[sflag:s5] =	ssyncset.done $0x0  }
0x23: {  	s17 =	ssub.s32 $0x2, s19;
	[sflag:s5] =	ssyncadd.s32 $0xFFFFFF80  }
0x24: {  	s20 =	sshrl.u32 s17, $0x1;
	_ =	swait.ge [sflag:s13], $0x1000  }
0x25: {  	s17 =	ssub.s32 s17, s20;
	[sflag:s13] =	ssyncset.done $0x0  }
0x26: {  	s16 =	sadd.s32 $0x1200, s16;
	s20 =	smax.u32 s17, $0x1;
	[sflag:s13] =	ssyncadd.s32 $0xFFFFF000  }
0x27: {  	[hbm4b:s16+s3] =	stream.linear.scatter [tilespmem:s8], [sflag:$0x2], $0x1000, $0x38;
	[tilespmem:$0x2380] =	vst v63  }
0x28: {  	s21 =	sshll.u32 s19, $0xA;
	s19 =	sadd.s32 $0xFFFFFFFF, s20  }
0x29: {  	[spmem:s2] =	stream.indirect.scatter.add.f32 [tilespmem:s15], [sflag:$0x3], $0x1, s6, s6, $0xb8;
	[tilespmem:$0x2380] =	vst v63  }
0x2a: {  	p1 =	sne.s32 s19, $0x0;
	_ =	swait.ge [sflag:s5], $0x80  }
.Ltmp0:
0x2b: {  	[sflag:s5] =	ssyncset.done $0x0;
	(pc) =	sbr.rel @!p1 .LBB2_2-.Ltmp0, $4  }
0x2c: {  	s17 =	simm.s32 $0x2;
	[sflag:s5] =	ssyncadd.s32 $0xFFFFFF80  }
0x2d: {  	_ =	swait.ge [sflag:s17], $0x1000  }
0x2e: {  	s18 =	sadd.s32 s21, s18;
	[sflag:s17] =	ssyncset.done $0x0  }
0x2f: {  	s18 =	sadd.s32 $0x9000, s18;
	[sflag:s17] =	ssyncadd.s32 $0xFFFFF000  }
.LBB2_1:
0x30: {  	s19 =	sadd.s32 $0xFFFFFFFF, s19;
	_ =	swait.ge [sflag:s17], $0x1000  }
0x31: {  	p1 =	sne.s32 s19, $0x0;
	[sflag:s17] =	ssyncset.done $0x0  }
0x32: {  	[sflag:s17] =	ssyncadd.s32 $0xFFFFF000  }
0x33: {  	[bflag:$0x0] =	sbarrier.arrive $0xFFFF  }
0x34: {  	[hbm:s18], [sflag:s11] =	dma.local @!p0 [spmem:s9], $0x400  }
0x35: {  	_ =	swait.ge @!p0 [sflag:s10], $0x400  }
0x36: {  	[sflag:s10] =	ssyncset.done @!p0 $0x0  }
0x37: {  	[sflag:s10] =	ssyncadd.s32 @!p0 $0xFFFFFC00  }
0x38: {  	[tilespmem:s3], [sflag:$0x3] =	stream.linear.gather [hbm4b:s4+s3], $0x100, $0x38;
	[tilespmem:$0x2380] =	vst v63  }
0x39: {  	_ =	swait.ge [sflag:s5], $0x100  }
0x3a: {  	[sflag:s5] =	ssyncset.done $0x0  }
0x3b: {  	[sflag:s5] =	ssyncadd.s32 $0xFFFFFF00  }
0x3c: {  	[tilespmem:s7], [sflag:$0x1] =	stream.indirect.gather [hbm4b:s1+s6], $0x20, s3, s6, $0xb8;
	[tilespmem:$0x2380] =	vst v63  }
0x3d: {  	_ = 	snop  }
0x3e: {  	[tilespmem:s8], [sflag:$0x1] =	stream.indirect.gather [hbm4b:s1+s6], $0x20, s6, s6, $0xb8;
	[tilespmem:$0x2380] =	vst v63  }
0x3f: {  	[tilespmem:$0x2170] =	vst v0  }
0x40: {  	[tilespmem:$0x2160] =	vst v0  }
0x41: {  	[tilespmem:$0x2150] =	vst v0  }
0x42: {  	[tilespmem:$0x2140] =	vst v0  }
0x43: {  	[tilespmem:$0x2130] =	vst v0  }
0x44: {  	[tilespmem:$0x2120] =	vst v0  }
0x45: {  	[tilespmem:$0x2100] =	vst v0  }
0x46: {  	[tilespmem:$0x2110] =	vst v0  }
0x47: {  	[spmem:s9], [sflag:s11] =	dma.local @!p0 [hbm:s12], $0x400  }
0x48: {  	_ =	swait.ge @!p0 [sflag:s10], $0x400  }
0x49: {  	[sflag:s10] =	ssyncset.done @!p0 $0x0  }
0x4a: {  	[sflag:s10] =	ssyncadd.s32 @!p0 $0xFFFFFC00  }
0x4b: {  	[bflag:$0x0] =	sbarrier.arrive $0xFFFF  }
0x4c: {  	_ =	swait.ge [sflag:s13], $0x1000  }
0x4d: {  	[sflag:s13] =	ssyncset.done $0x0  }
0x4e: {  	[sflag:s13] =	ssyncadd.s32 $0xFFFFF000  }
0x4f: {  	[hbm4b:s14+s3] =	stream.linear.scatter [tilespmem:s7], [sflag:$0x2], $0x1000, $0x38;
	[tilespmem:$0x2380] =	vst v63  }
0x50: {  	_ = 	snop  }
0x51: {  	[spmem:s2] =	stream.indirect.scatter.add.f32 [tilespmem:s15], [sflag:$0x3], $0x1, s3, s6, $0xb8;
	[tilespmem:$0x2380] =	vst v63  }
0x52: {  	_ =	swait.ge [sflag:s5], $0x80  }
0x53: {  	[sflag:s5] =	ssyncset.done $0x0  }
0x54: {  	[sflag:s5] =	ssyncadd.s32 $0xFFFFFF80  }
0x55: {  	_ =	swait.ge [sflag:s13], $0x1000  }
0x56: {  	[sflag:s13] =	ssyncset.done $0x0  }
0x57: {  	[sflag:s13] =	ssyncadd.s32 $0xFFFFF000  }
0x58: {  	[hbm4b:s16+s3] =	stream.linear.scatter [tilespmem:s8], [sflag:$0x2], $0x1000, $0x38;
	[tilespmem:$0x2380] =	vst v63  }
0x59: {  	_ = 	snop  }
0x5a: {  	[spmem:s2] =	stream.indirect.scatter.add.f32 [tilespmem:s15], [sflag:$0x3], $0x1, s6, s6, $0xb8;
	[tilespmem:$0x2380] =	vst v63  }
0x5b: {  	_ =	swait.ge [sflag:s5], $0x80  }
.Ltmp1:
0x5c: {  	[sflag:s5] =	ssyncset.done $0x0;
	(pc) =	sbr.rel @p1 .LBB2_1-.Ltmp1, $4  }
0x5d: {  	[sflag:s5] =	ssyncadd.s32 $0xFFFFFF80  }
0x5e: {  	_ =	swait.ge [sflag:s17], $0x1000  }
0x5f: {  	[sflag:s17] =	ssyncset.done $0x0  }
0x60: {  	[sflag:s17] =	ssyncadd.s32 $0xFFFFF000  }
.LBB2_2:
0x61: {  	_ =	swait.ge [sflag:s17], $0x1000  }
0x62: {  	[sflag:s17] =	ssyncset.done $0x0  }
0x63: {  	[sflag:s17] =	ssyncadd.s32 $0xFFFFF000  }
0x64: {  	[bflag:$0x0] =	sbarrier.arrive $0xFFFF  }
0x65: {  	[hbm:s18], [sflag:s11] =	dma.local @!p0 [spmem:s9], $0x400  }
0x66: {  	_ =	swait.ge @!p0 [sflag:s10], $0x400  }
0x67: {  	[sflag:s10] =	ssyncset.done @!p0 $0x0  }
0x68: {  	[sflag:s10] =	ssyncadd.s32 @!p0 $0xFFFFFC00  }
0x69: {  	_ =	sfence.sel $0x180000  }
0x6a: {  	[bflag:$0x0] =	sbarrier.arrive $0xFFFF  }
0x6b: {  	_ =	strace $0x90000047  }
0x6c: {  	s0 =	sadd.s32 @!p0 $0x100000, s0;
	[bflag:$0x2] =	sbarrier.arrive $0xFFFF  }
0x6d: {  	[sflag:s0] =	ssyncadd.tile.s32 @!p0 $0x1;
	_ =	shalt  }
.Lfunc_end2:
_tile_overlayer_lowered:
.L_overlay_start_2:
0x6e: {  	(tag) =	ssettag $0x2  }
0x6f: {  	s0 =	rddreg [dreg:$0x0];
	s2 =	stileid.u32  }
0x70: {  	s1 =	rddreg [dreg:$0x1];
	p0 =	sne.s32 s2, $0x0  }
0x71: {  	s3 =	rddreg [dreg:$0x2];
	[bflag:$0x3] =	sbarrier.arrive $0xFFFF;
	s2 =	simm.s32 @!p0 $0x1C03  }
0x72: {  	[timem:s3], [sflag:s2] =	dma.local @!p0 [hbm:s0], s1  }
0x73: {  	s0 =	simm.s32 @!p0 $0x3  }
0x74: {  	_ =	swait.ge @!p0 [sflag:s0], s1  }
0x75: {  	s1 =	ssub.s32 @!p0 $0x0, s1;
	[sflag:s0] =	ssyncset.done @!p0 $0x0  }
0x76: {  	[sflag:s0] =	ssyncadd.s32 @!p0 s1  }
0x77: {  	[bflag:$0x3] =	sbarrier.arrive $0xFFFF  }
0x78: {  	_ =	shalt  }

</sc_bundles>
